<compile_context>
chip_gen: v7x
topology: tpu7x:2x2x1
jax: 0.10.2.dev20260603
libtpu: 0.0.44.dev20260713+nightly
codegen_flags: <defaults>
</compile_context>

<pallas_src>
import math

import jax
import jax.numpy as jnp
import numpy as np
from jax.experimental import pallas as pl
from jax.experimental.pallas import tpu as pltpu

_TAPS = tuple(
    float(np.exp(-(d * d) / 2.0) / np.sqrt(2.0 * np.pi)) for d in (-2, -1, 0, 1, 2)
)

_K_FRAC = 2


def _conf_kernel(psm_ref, conf_ref, thr_ref):
    p = psm_ref[...]
    m = jnp.max(jax.nn.sigmoid(p), axis=1)
    N, H, W = m.shape
    zw = jnp.zeros((N, H, 2), m.dtype)
    pw = jnp.concatenate([zw, m, zw], axis=2)
    acc = _TAPS[0] * pw[:, :, 0:W]
    for d in range(1, 5):
        acc = acc + _TAPS[d] * pw[:, :, d:d + W]
    zh = jnp.zeros((N, 2, W), m.dtype)
    ph = jnp.concatenate([zh, acc, zh], axis=1)
    conf = _TAPS[0] * ph[:, 0:H, :]
    for d in range(1, 5):
        conf = conf + _TAPS[d] * ph[:, d:d + H, :]
    conf_ref[...] = conf

    bits = jax.lax.bitcast_convert_type(conf, jnp.int32)
    k = (H * W) // _K_FRAC

    def body(_, lohi):
        lo, hi = lohi
        mid = (lo + hi) // 2
        c = jnp.sum((bits >= mid).astype(jnp.int32), axis=(1, 2), keepdims=True)
        take = c >= k
        return jnp.where(take, mid, lo), jnp.where(take, hi, mid)

    init = (
        jnp.zeros((N, 1, 1), jnp.int32),
        jnp.full((N, 1, 1), 1 << 30, jnp.int32),
    )
    lo, _ = jax.lax.fori_loop(0, 30, body, init, unroll=False)
    thr_ref[...] = jax.lax.bitcast_convert_type(lo, jnp.float32)


def _fuse_kernel(thr_ref, x_ref, conf_ref, out_ref):
    xb = x_ref[0]
    cb = conf_ref[0]
    L, C, BLK = xb.shape
    thr = jnp.stack([thr_ref[0, 0, i] for i in range(L)])[:, None]
    row = jax.lax.broadcasted_iota(jnp.int32, (L, BLK), 0)
    mask = (cb >= thr) | (row == 0)
    dots = jnp.sum(xb * xb[0:1], axis=1) * (1.0 / math.sqrt(C))
    s = jnp.where(mask, dots, 0.0)
    e = jnp.exp(s - jnp.max(s, axis=0, keepdims=True))
    w = jnp.where(mask, e, 0.0) / jnp.sum(e, axis=0, keepdims=True)
    out_ref[0] = jnp.sum(w[:, None, :] * xb, axis=0)


def kernel(x, psm_single, record_len, pairwise_t_matrix):
    B = record_len.shape[0]
    N, C, H, W = x.shape
    L = N // B
    A = psm_single.shape[1]
    HW = H * W

    conf, thr = pl.pallas_call(
        _conf_kernel,
        in_specs=[pl.BlockSpec((N, A, H, W), lambda: (0, 0, 0, 0))],
        out_specs=[
            pl.BlockSpec((N, H, W), lambda: (0, 0, 0)),
            pl.BlockSpec((N, 1, 1), lambda: (0, 0, 0)),
        ],
        out_shape=[
            jax.ShapeDtypeStruct((N, H, W), jnp.float32),
            jax.ShapeDtypeStruct((N, 1, 1), jnp.float32),
        ],
    )(psm_single)

    BLK = 2048
    xr = x.reshape(B, L, C, HW)
    cr = conf.reshape(B, L, HW)
    tr = thr.reshape(B, 1, L)

    fused = pl.pallas_call(
        _fuse_kernel,
        grid=(B, HW // BLK),
        in_specs=[
            pl.BlockSpec((1, 1, L), lambda b, j: (b, 0, 0), memory_space=pltpu.SMEM),
            pl.BlockSpec((1, L, C, BLK), lambda b, j: (b, 0, 0, j)),
            pl.BlockSpec((1, L, BLK), lambda b, j: (b, 0, j)),
        ],
        out_specs=pl.BlockSpec((1, C, BLK), lambda b, j: (b, 0, j)),
        out_shape=jax.ShapeDtypeStruct((B, C, HW), jnp.float32),
        compiler_params=pltpu.CompilerParams(
            dimension_semantics=("parallel", "parallel")
        ),
    )(tr, xr, cr)

    fused = fused.reshape(B, C, H, W)
    rate = jnp.float32(1.0 / _K_FRAC)
    return fused, rate

# --- scband reference (transcript-rebuilt; emitter-appended) ---
"""Pipeline reference for scband-where2comm-1211180778350 (READ-ONLY COPY).

The authoritative reference and input builder live on the scoring server;
editing this copy changes nothing except your own understanding.
"""

import jax, jax.numpy as jnp
import numpy as np


def gaussian_kernel(k_size=5, sigma=1.0):
    center = k_size // 2
    x, y = np.mgrid[0 - center:k_size - center, 0 - center:k_size - center]
    g = 1.0 / (2 * np.pi * sigma) * np.exp(-(np.square(x) + np.square(y)) / (2 * np.square(sigma)))
    return jnp.asarray(g, jnp.float32)


def setup_inputs(seed: int = 0) -> dict:
    key = jax.random.key(seed)
    k1, k2 = jax.random.split(key)
    B, L, C, H, W, A = 2, 5, 128, 128, 256, 2
    N = B * L
    x = jax.random.normal(k1, (N, C, H, W), jnp.float32)
    psm_single = jax.random.normal(k2, (N, A, H, W), jnp.float32)
    record_len = jnp.full((B,), L, dtype=jnp.int64)
    pairwise_t_matrix = jnp.tile(jnp.eye(4, dtype=jnp.float32), (B, L, L, 1, 1))
    return {"x": x, "psm_single": psm_single, "record_len": record_len, "pairwise_t_matrix": pairwise_t_matrix}


def _gaussian_smooth(conf, kern):
    # conf: (L, 1, H, W), kern: (k, k)
    k = kern.shape[0]
    pad = (k - 1) // 2
    return jax.lax.conv_general_dilated(
        conf, kern[None, None, :, :], (1, 1), [(pad, pad), (pad, pad)],
        dimension_numbers=("NCHW", "OIHW", "NCHW"))


def _attention_fusion(feat):
    # AttentionFusion: parameter-free scaled dot-product attention per pixel
    L, C, H, W = feat.shape
    t = feat.reshape(L, C, H * W).transpose(2, 0, 1)  # (HW, L, C)
    score = jnp.einsum("nlc,nmc->nlm", t, t) / (C ** 0.5)
    att = jax.nn.softmax(score, axis=-1)
    out = jnp.einsum("nlm,nmc->nlc", att, t)
    out = out.transpose(1, 2, 0).reshape(L, C, H, W)[0]
    return out


def reference(x, psm_single, record_len, pairwise_t_matrix):
    # Where2comm single-scale forward, training-style top-k communication masking
    # (random.uniform(0,1) fixed to 0.5 for determinism -> K = H*W//2).
    B = record_len.shape[0]
    N, C, H, W = x.shape
    L = N // B
    kern = gaussian_kernel(5, 1.0)
    xs = x.reshape(B, L, C, H, W)
    ps = psm_single.reshape(B, L, -1, H, W)
    K = (H * W) // 2
    fused = []
    rates = []
    for b in range(B):
        conf = jnp.max(jax.nn.sigmoid(ps[b]), axis=1, keepdims=True)  # (L,1,H,W)
        conf = _gaussian_smooth(conf, kern)
        flat = conf.reshape(L, H * W)
        _, idx = jax.lax.top_k(flat, K)
        mask = jnp.zeros((L, H * W), flat.dtype).at[jnp.arange(L)[:, None], idx].set(1.0)
        mask = mask.reshape(L, 1, H, W)
        rate = mask.sum() / (L * H * W)
        mask = mask.at[0].set(1.0)  # ego always keeps everything
        fused_b = _attention_fusion(xs[b] * mask)
        fused.append(fused_b)
        rates.append(rate)
    fused_features = jnp.stack(fused, axis=0)  # (B, C, H, W)
    communication_rate = sum(rates) / B
    return fused_features, communication_rate

if __name__ == "__main__":
    import jax
    _d = setup_inputs()
    print(jax.jit(kernel)(*tuple(_d.values())))

</pallas_src>

<mosaic_0001>
module attributes {stable_mosaic.version = 14 : i64} {
  func.func @_conf_kernel(%arg0: memref<10x2x128x256xf32, #tpu.memory_space<vmem>>, %arg1: memref<10x128x256xf32, #tpu.memory_space<vmem>>, %arg2: memref<10x1x1xf32, #tpu.memory_space<vmem>>) attributes {dimension_semantics = [], scalar_prefetch = 0 : i64, scratch_operands = 0 : i64, tpu.core_type = #tpu.core_type<tc>} {
    %get3A = arith.constant 0 : index
    %get3A_0 = arith.constant 0 : index
    %get3A_1 = arith.constant 0 : index
    %get3A_2 = arith.constant 0 : index
    %get3A_3 = vector.load %arg0[%get3A, %get3A_0, %get3A_1, %get3A_2] : memref<10x2x128x256xf32, #tpu.memory_space<vmem>>, vector<10x2x128x256xf32>
    %logistic3A = arith.negf %get3A_3 : vector<10x2x128x256xf32>
    %logistic3A_4 = math.exp %logistic3A : vector<10x2x128x256xf32>
    %logistic3A_5 = arith.constant 1.000000e+00 : f32
    %logistic3A_6 = vector.broadcast %logistic3A_5 : f32 to vector<10x2x128x256xf32>
    %logistic3A_7 = arith.addf %logistic3A_6, %logistic3A_4 : vector<10x2x128x256xf32>
    %logistic3A_8 = arith.divf %logistic3A_6, %logistic3A_7 : vector<10x2x128x256xf32>
    %reduce_max3A = arith.constant dense<0xFF800000> : vector<10x128x256xf32>
    %reduce_max3A_9 = vector.multi_reduction <maximumf>, %logistic3A_8, %reduce_max3A [1] : vector<10x2x128x256xf32> to vector<10x128x256xf32>
    %broadcast_in_dim3A = arith.constant 0.000000e+00 : f32
    %broadcast_in_dim3A_10 = vector.broadcast %broadcast_in_dim3A : f32 to vector<10x128x2xf32>
    %concatenate3A = tpu.concatenate %broadcast_in_dim3A_10, %reduce_max3A_9, %broadcast_in_dim3A_10 in 2 : vector<10x128x2xf32>, vector<10x128x256xf32>, vector<10x128x2xf32> -> vector<10x128x260xf32>
    %slice3A = vector.extract_strided_slice %concatenate3A {offsets = [0, 0, 0], sizes = [10, 128, 256], strides = [1, 1, 1]} : vector<10x128x260xf32> to vector<10x128x256xf32>
    %mul3A = arith.constant 0.0539909676 : f32
    %mul3A_11 = vector.broadcast %mul3A : f32 to vector<10x128x256xf32>
    %mul3A_12 = arith.mulf %mul3A_11, %slice3A : vector<10x128x256xf32>
    %slice3A_13 = vector.extract_strided_slice %concatenate3A {offsets = [0, 0, 1], sizes = [10, 128, 256], strides = [1, 1, 1]} : vector<10x128x260xf32> to vector<10x128x256xf32>
    %mul3A_14 = arith.constant 0.241970718 : f32
    %mul3A_15 = vector.broadcast %mul3A_14 : f32 to vector<10x128x256xf32>
    %mul3A_16 = arith.mulf %mul3A_15, %slice3A_13 : vector<10x128x256xf32>
    %add3A = arith.addf %mul3A_12, %mul3A_16 : vector<10x128x256xf32>
    %slice3A_17 = vector.extract_strided_slice %concatenate3A {offsets = [0, 0, 2], sizes = [10, 128, 256], strides = [1, 1, 1]} : vector<10x128x260xf32> to vector<10x128x256xf32>
    %mul3A_18 = arith.constant 0.398942292 : f32
    %mul3A_19 = vector.broadcast %mul3A_18 : f32 to vector<10x128x256xf32>
    %mul3A_20 = arith.mulf %mul3A_19, %slice3A_17 : vector<10x128x256xf32>
    %add3A_21 = arith.addf %add3A, %mul3A_20 : vector<10x128x256xf32>
    %slice3A_22 = vector.extract_strided_slice %concatenate3A {offsets = [0, 0, 3], sizes = [10, 128, 256], strides = [1, 1, 1]} : vector<10x128x260xf32> to vector<10x128x256xf32>
    %mul3A_23 = arith.constant 0.241970718 : f32
    %mul3A_24 = vector.broadcast %mul3A_23 : f32 to vector<10x128x256xf32>
    %mul3A_25 = arith.mulf %mul3A_24, %slice3A_22 : vector<10x128x256xf32>
    %add3A_26 = arith.addf %add3A_21, %mul3A_25 : vector<10x128x256xf32>
    %slice3A_27 = vector.extract_strided_slice %concatenate3A {offsets = [0, 0, 4], sizes = [10, 128, 256], strides = [1, 1, 1]} : vector<10x128x260xf32> to vector<10x128x256xf32>
    %mul3A_28 = arith.constant 0.0539909676 : f32
    %mul3A_29 = vector.broadcast %mul3A_28 : f32 to vector<10x128x256xf32>
    %mul3A_30 = arith.mulf %mul3A_29, %slice3A_27 : vector<10x128x256xf32>
    %add3A_31 = arith.addf %add3A_26, %mul3A_30 : vector<10x128x256xf32>
    %broadcast_in_dim3A_32 = arith.constant 0.000000e+00 : f32
    %broadcast_in_dim3A_33 = vector.broadcast %broadcast_in_dim3A_32 : f32 to vector<10x2x256xf32>
    %concatenate3A_34 = tpu.concatenate %broadcast_in_dim3A_33, %add3A_31, %broadcast_in_dim3A_33 in 1 : vector<10x2x256xf32>, vector<10x128x256xf32>, vector<10x2x256xf32> -> vector<10x132x256xf32>
    %slice3A_35 = vector.extract_strided_slice %concatenate3A_34 {offsets = [0, 0, 0], sizes = [10, 128, 256], strides = [1, 1, 1]} : vector<10x132x256xf32> to vector<10x128x256xf32>
    %mul3A_36 = arith.constant 0.0539909676 : f32
    %mul3A_37 = vector.broadcast %mul3A_36 : f32 to vector<10x128x256xf32>
    %mul3A_38 = arith.mulf %mul3A_37, %slice3A_35 : vector<10x128x256xf32>
    %slice3A_39 = vector.extract_strided_slice %concatenate3A_34 {offsets = [0, 1, 0], sizes = [10, 128, 256], strides = [1, 1, 1]} : vector<10x132x256xf32> to vector<10x128x256xf32>
    %mul3A_40 = arith.constant 0.241970718 : f32
    %mul3A_41 = vector.broadcast %mul3A_40 : f32 to vector<10x128x256xf32>
    %mul3A_42 = arith.mulf %mul3A_41, %slice3A_39 : vector<10x128x256xf32>
    %add3A_43 = arith.addf %mul3A_38, %mul3A_42 : vector<10x128x256xf32>
    %slice3A_44 = vector.extract_strided_slice %concatenate3A_34 {offsets = [0, 2, 0], sizes = [10, 128, 256], strides = [1, 1, 1]} : vector<10x132x256xf32> to vector<10x128x256xf32>
    %mul3A_45 = arith.constant 0.398942292 : f32
    %mul3A_46 = vector.broadcast %mul3A_45 : f32 to vector<10x128x256xf32>
    %mul3A_47 = arith.mulf %mul3A_46, %slice3A_44 : vector<10x128x256xf32>
    %add3A_48 = arith.addf %add3A_43, %mul3A_47 : vector<10x128x256xf32>
    %slice3A_49 = vector.extract_strided_slice %concatenate3A_34 {offsets = [0, 3, 0], sizes = [10, 128, 256], strides = [1, 1, 1]} : vector<10x132x256xf32> to vector<10x128x256xf32>
    %mul3A_50 = arith.constant 0.241970718 : f32
    %mul3A_51 = vector.broadcast %mul3A_50 : f32 to vector<10x128x256xf32>
    %mul3A_52 = arith.mulf %mul3A_51, %slice3A_49 : vector<10x128x256xf32>
    %add3A_53 = arith.addf %add3A_48, %mul3A_52 : vector<10x128x256xf32>
    %slice3A_54 = vector.extract_strided_slice %concatenate3A_34 {offsets = [0, 4, 0], sizes = [10, 128, 256], strides = [1, 1, 1]} : vector<10x132x256xf32> to vector<10x128x256xf32>
    %mul3A_55 = arith.constant 0.0539909676 : f32
    %mul3A_56 = vector.broadcast %mul3A_55 : f32 to vector<10x128x256xf32>
    %mul3A_57 = arith.mulf %mul3A_56, %slice3A_54 : vector<10x128x256xf32>
    %add3A_58 = arith.addf %add3A_53, %mul3A_57 : vector<10x128x256xf32>
    %swap3A = arith.constant 0 : index
    %swap3A_59 = arith.constant 0 : index
    %swap3A_60 = arith.constant 0 : index
    %swap3A_61 = vector.load %arg1[%swap3A, %swap3A_59, %swap3A_60] : memref<10x128x256xf32, #tpu.memory_space<vmem>>, vector<10x128x256xf32>
    tpu.vector_store %arg1[%swap3A, %swap3A_59, %swap3A_60], %add3A_58 {strides = array<i32>} : memref<10x128x256xf32, #tpu.memory_space<vmem>>, vector<10x128x256xf32>,
    %bitcast_convert_type3A = tpu.bitcast %add3A_58 : vector<10x128x256xf32> -> vector<10x128x256xi32>
    %broadcast_in_dim3A_62 = arith.constant 0 : i32
    %broadcast_in_dim3A_63 = vector.broadcast %broadcast_in_dim3A_62 : i32 to vector<10x1x1xi32>
    %broadcast_in_dim3A_64 = arith.constant 1073741824 : i32
    %broadcast_in_dim3A_65 = vector.broadcast %broadcast_in_dim3A_64 : i32 to vector<10x1x1xi32>
    %scan3A = arith.constant 0 : i32
    %scan3A_66 = arith.constant 30 : i32
    %scan3A_67 = arith.addi %scan3A, %scan3A_66 : i32
    %scan3A_68 = arith.constant 1 : i32
    %scan3A_69:2 = scf.for %scan3A_75 = %scan3A to %scan3A_67 step %scan3A_68 iter_args(%scan3A_76 = %broadcast_in_dim3A_63, %scan3A_77 = %broadcast_in_dim3A_65) -> (vector<10x1x1xi32>, vector<10x1x1xi32>)  : i32 {
      %add3A_78 = arith.addi %scan3A_76, %scan3A_77 : vector<10x1x1xi32>
      %jit3A = arith.constant 2 : i32
      %div3A = vector.broadcast %jit3A : i32 to vector<10x1x1xi32>
      %div3A_79 = arith.divsi %add3A_78, %div3A : vector<10x1x1xi32>
      %sign3A = arith.constant 0 : i32
      %sign3A_80 = vector.broadcast %sign3A : i32 to vector<10x1x1xi32>
      %sign3A_81 = arith.cmpi sgt, %add3A_78, %sign3A_80 : vector<10x1x1xi32>
      %sign3A_82 = arith.extui %sign3A_81 : vector<10x1x1xi1> to vector<10x1x1xi32>
      %sign3A_83 = arith.constant 0 : i32
      %sign3A_84 = vector.broadcast %sign3A_83 : i32 to vector<10x1x1xi32>
      %sign3A_85 = arith.cmpi slt, %add3A_78, %sign3A_84 : vector<10x1x1xi32>
      %sign3A_86 = arith.extui %sign3A_85 : vector<10x1x1xi1> to vector<10x1x1xi32>
      %sign3A_87 = arith.subi %sign3A_82, %sign3A_86 : vector<10x1x1xi32>
      %sign3A_88 = arith.constant 0 : i32
      %sign3A_89 = arith.cmpi sgt, %jit3A, %sign3A_88 : i32
      %sign3A_90 = arith.extui %sign3A_89 : i1 to i32
      %sign3A_91 = arith.constant 0 : i32
      %sign3A_92 = arith.cmpi slt, %jit3A, %sign3A_91 : i32
      %sign3A_93 = arith.extui %sign3A_92 : i1 to i32
      %sign3A_94 = arith.subi %sign3A_90, %sign3A_93 : i32
      %ne3A = vector.broadcast %sign3A_94 : i32 to vector<10x1x1xi32>
      %ne3A_95 = arith.cmpi ne, %sign3A_87, %ne3A : vector<10x1x1xi32>
      %rem3A = vector.broadcast %jit3A : i32 to vector<10x1x1xi32>
      %rem3A_96 = arith.remsi %add3A_78, %rem3A : vector<10x1x1xi32>
      %ne3A_97 = arith.constant 0 : i32
      %ne3A_98 = vector.broadcast %ne3A_97 : i32 to vector<10x1x1xi32>
      %ne3A_99 = arith.cmpi ne, %rem3A_96, %ne3A_98 : vector<10x1x1xi32>
      %and3A = arith.andi %ne3A_95, %ne3A_99 : vector<10x1x1xi1>
      %sub3A = arith.constant 1 : i32
      %sub3A_100 = vector.broadcast %sub3A : i32 to vector<10x1x1xi32>
      %sub3A_101 = arith.subi %div3A_79, %sub3A_100 : vector<10x1x1xi32>
      %select_n3A = arith.select %and3A, %sub3A_101, %div3A_79 : vector<10x1x1xi1>, vector<10x1x1xi32>
      %ge3A = vector.broadcast %select_n3A : vector<10x1x1xi32> to vector<10x128x256xi32>
      %ge3A_102 = arith.cmpi sge, %bitcast_convert_type3A, %ge3A : vector<10x128x256xi32>
      %convert_element_type3A = arith.extui %ge3A_102 : vector<10x128x256xi1> to vector<10x128x256xi32>
      %reduce_sum3A = arith.constant dense<0> : vector<10xi32>
      %reduce_sum3A_103 = vector.multi_reduction <add>, %convert_element_type3A, %reduce_sum3A [1, 2] : vector<10x128x256xi32> to vector<10xi32>
      %broadcast_in_dim3A_104 = vector.shape_cast %reduce_sum3A_103 : vector<10xi32> to vector<10x1x1xi32>
      %ge3A_105 = arith.constant 16384 : i32
      %ge3A_106 = vector.broadcast %ge3A_105 : i32 to vector<10x1x1xi32>
      %ge3A_107 = arith.cmpi sge, %broadcast_in_dim3A_104, %ge3A_106 : vector<10x1x1xi32>
      %select_n3A_108 = arith.select %ge3A_107, %select_n3A, %scan3A_76 : vector<10x1x1xi1>, vector<10x1x1xi32>
      %select_n3A_109 = arith.select %ge3A_107, %scan3A_77, %select_n3A : vector<10x1x1xi1>, vector<10x1x1xi32>
      scf.yield %select_n3A_108, %select_n3A_109 : vector<10x1x1xi32>, vector<10x1x1xi32>
    }
    %bitcast_convert_type3A_70 = tpu.bitcast %scan3A_69#0 : vector<10x1x1xi32> -> vector<10x1x1xf32>
    %swap3A_71 = arith.constant 0 : index
    %swap3A_72 = arith.constant 0 : index
    %swap3A_73 = arith.constant 0 : index
    %swap3A_74 = vector.load %arg2[%swap3A_71, %swap3A_72, %swap3A_73] : memref<10x1x1xf32, #tpu.memory_space<vmem>>, vector<10x1x1xf32>
    tpu.vector_store %arg2[%swap3A_71, %swap3A_72, %swap3A_73], %bitcast_convert_type3A_70 {strides = array<i32>} : memref<10x1x1xf32, #tpu.memory_space<vmem>>, vector<10x1x1xf32>,
    return
  }
}

module attributes {stable_mosaic.version = 14 : i64} {
  func.func @_fuse_kernel(%arg0: i32, %arg1: i32, %arg2: memref<1x1x5xf32, #tpu.memory_space<smem>>, %arg3: memref<1x5x128x2048xf32, #tpu.memory_space<vmem>>, %arg4: memref<1x5x2048xf32, #tpu.memory_space<vmem>>, %arg5: memref<1x128x2048xf32, #tpu.memory_space<vmem>>) attributes {dimension_semantics = [#tpu.dimension_semantics<parallel>, #tpu.dimension_semantics<parallel>], iteration_bounds = array<i64: 2, 16>, scalar_prefetch = 0 : i64, scratch_operands = 0 : i64, tpu.core_type = #tpu.core_type<tc>, window_params = [{transform_indices = @transform_0, window_bounds = array<i64: 1, 1, 5>}, {transform_indices = @transform_1, window_bounds = array<i64: 1, 5, 128, 2048>}, {transform_indices = @transform_2, window_bounds = array<i64: 1, 5, 2048>}, {transform_indices = @transform_3, window_bounds = array<i64: 1, 128, 2048>}]} {
    %get3A = arith.constant 0 : index
    %get3A_0 = arith.constant 0 : index
    %get3A_1 = arith.constant 0 : index
    %get3A_2 = arith.constant 0 : index
    %get3A_3 = vector.load %arg3[%get3A, %get3A_0, %get3A_1, %get3A_2] : memref<1x5x128x2048xf32, #tpu.memory_space<vmem>>, vector<1x5x128x2048xf32>
    %get3A_4 = vector.shape_cast %get3A_3 : vector<1x5x128x2048xf32> to vector<5x128x2048xf32>
    %get3A_5 = arith.constant 0 : index
    %get3A_6 = arith.constant 0 : index
    %get3A_7 = arith.constant 0 : index
    %get3A_8 = vector.load %arg4[%get3A_5, %get3A_6, %get3A_7] : memref<1x5x2048xf32, #tpu.memory_space<vmem>>, vector<1x5x2048xf32>
    %get3A_9 = vector.shape_cast %get3A_8 : vector<1x5x2048xf32> to vector<5x2048xf32>
    %get3A_10 = arith.constant 0 : index
    %get3A_11 = arith.constant 0 : index
    %get3A_12 = arith.constant 0 : index
    %get3A_13 = memref.load %arg2[%get3A_10, %get3A_11, %get3A_12] : memref<1x1x5xf32, #tpu.memory_space<smem>>
    %get3A_14 = arith.constant 0 : index
    %get3A_15 = arith.constant 0 : index
    %get3A_16 = arith.constant 1 : index
    %get3A_17 = memref.load %arg2[%get3A_14, %get3A_15, %get3A_16] : memref<1x1x5xf32, #tpu.memory_space<smem>>
    %get3A_18 = arith.constant 0 : index
    %get3A_19 = arith.constant 0 : index
    %get3A_20 = arith.constant 2 : index
    %get3A_21 = memref.load %arg2[%get3A_18, %get3A_19, %get3A_20] : memref<1x1x5xf32, #tpu.memory_space<smem>>
    %get3A_22 = arith.constant 0 : index
    %get3A_23 = arith.constant 0 : index
    %get3A_24 = arith.constant 3 : index
    %get3A_25 = memref.load %arg2[%get3A_22, %get3A_23, %get3A_24] : memref<1x1x5xf32, #tpu.memory_space<smem>>
    %get3A_26 = arith.constant 0 : index
    %get3A_27 = arith.constant 0 : index
    %get3A_28 = arith.constant 4 : index
    %get3A_29 = memref.load %arg2[%get3A_26, %get3A_27, %get3A_28] : memref<1x1x5xf32, #tpu.memory_space<smem>>
    %stack3A = vector.broadcast %get3A_13 : f32 to vector<1xf32>
    %stack3A_30 = vector.broadcast %get3A_17 : f32 to vector<1xf32>
    %stack3A_31 = vector.broadcast %get3A_21 : f32 to vector<1xf32>
    %stack3A_32 = vector.broadcast %get3A_25 : f32 to vector<1xf32>
    %stack3A_33 = vector.broadcast %get3A_29 : f32 to vector<1xf32>
    %stack3A_34 = tpu.concatenate %stack3A, %stack3A_30, %stack3A_31, %stack3A_32, %stack3A_33 in 0 : vector<1xf32>, vector<1xf32>, vector<1xf32>, vector<1xf32>, vector<1xf32> -> vector<5xf32>
    %broadcast_in_dim3A = vector.shape_cast %stack3A_34 : vector<5xf32> to vector<5x1xf32>
    %iota3A = tpu.iota {dimensions = array<i32: 0>} : vector<5x2048xi32>
    %ge3A = vector.broadcast %broadcast_in_dim3A : vector<5x1xf32> to vector<5x2048xf32>
    %ge3A_35 = arith.cmpf oge, %get3A_9, %ge3A : vector<5x2048xf32>
    %eq3A = arith.constant 0 : i32
    %eq3A_36 = vector.broadcast %eq3A : i32 to vector<5x2048xi32>
    %eq3A_37 = arith.cmpi eq, %iota3A, %eq3A_36 : vector<5x2048xi32>
    %or3A = arith.ori %ge3A_35, %eq3A_37 : vector<5x2048xi1>
    %slice3A = vector.extract_strided_slice %get3A_4 {offsets = [0, 0, 0], sizes = [1, 128, 2048], strides = [1, 1, 1]} : vector<5x128x2048xf32> to vector<1x128x2048xf32>
    %mul3A = vector.broadcast %slice3A : vector<1x128x2048xf32> to vector<5x128x2048xf32>
    %mul3A_38 = arith.mulf %get3A_4, %mul3A : vector<5x128x2048xf32>
    %reduce_sum3A = arith.constant dense<0.000000e+00> : vector<5x2048xf32>
    %reduce_sum3A_39 = vector.multi_reduction <add>, %mul3A_38, %reduce_sum3A [1] : vector<5x128x2048xf32> to vector<5x2048xf32>
    %mul3A_40 = arith.constant 0.0883883461 : f32
    %mul3A_41 = vector.broadcast %mul3A_40 : f32 to vector<5x2048xf32>
    %mul3A_42 = arith.mulf %reduce_sum3A_39, %mul3A_41 : vector<5x2048xf32>
    %jit3A = arith.constant 0.000000e+00 : f32
    %broadcast_in_dim3A_43 = vector.broadcast %jit3A : f32 to vector<5x2048xf32>
    %select_n3A = arith.select %or3A, %mul3A_42, %broadcast_in_dim3A_43 : vector<5x2048xi1>, vector<5x2048xf32>
    %reduce_max3A = arith.constant dense<0xFF800000> : vector<2048xf32>
    %reduce_max3A_44 = vector.multi_reduction <maximumf>, %select_n3A, %reduce_max3A [0] : vector<5x2048xf32> to vector<2048xf32>
    %broadcast_in_dim3A_45 = vector.shape_cast %reduce_max3A_44 : vector<2048xf32> to vector<1x2048xf32>
    %sub3A = vector.broadcast %broadcast_in_dim3A_45 : vector<1x2048xf32> to vector<5x2048xf32>
    %sub3A_46 = arith.subf %select_n3A, %sub3A : vector<5x2048xf32>
    %exp3A = math.exp %sub3A_46 : vector<5x2048xf32>
    %jit3A_47 = arith.constant 0.000000e+00 : f32
    %broadcast_in_dim3A_48 = vector.broadcast %jit3A_47 : f32 to vector<5x2048xf32>
    %select_n3A_49 = arith.select %or3A, %exp3A, %broadcast_in_dim3A_48 : vector<5x2048xi1>, vector<5x2048xf32>
    %reduce_sum3A_50 = arith.constant dense<0.000000e+00> : vector<2048xf32>
    %reduce_sum3A_51 = vector.multi_reduction <add>, %exp3A, %reduce_sum3A_50 [0] : vector<5x2048xf32> to vector<2048xf32>
    %broadcast_in_dim3A_52 = vector.shape_cast %reduce_sum3A_51 : vector<2048xf32> to vector<1x2048xf32>
    %div3A = vector.broadcast %broadcast_in_dim3A_52 : vector<1x2048xf32> to vector<5x2048xf32>
    %div3A_53 = arith.divf %select_n3A_49, %div3A : vector<5x2048xf32>
    %broadcast_in_dim3A_54 = vector.shape_cast %div3A_53 : vector<5x2048xf32> to vector<5x1x2048xf32>
    %mul3A_55 = vector.broadcast %broadcast_in_dim3A_54 : vector<5x1x2048xf32> to vector<5x128x2048xf32>
    %mul3A_56 = arith.mulf %mul3A_55, %get3A_4 : vector<5x128x2048xf32>
    %reduce_sum3A_57 = arith.constant dense<0.000000e+00> : vector<128x2048xf32>
    %reduce_sum3A_58 = vector.multi_reduction <add>, %mul3A_56, %reduce_sum3A_57 [0] : vector<5x128x2048xf32> to vector<128x2048xf32>
    %swap3A = arith.constant 0 : index
    %swap3A_59 = arith.constant 0 : index
    %swap3A_60 = arith.constant 0 : index
    %swap3A_61 = vector.load %arg5[%swap3A, %swap3A_59, %swap3A_60] : memref<1x128x2048xf32, #tpu.memory_space<vmem>>, vector<1x128x2048xf32>
    %swap3A_62 = vector.shape_cast %swap3A_61 : vector<1x128x2048xf32> to vector<128x2048xf32>
    %swap3A_63 = vector.shape_cast %reduce_sum3A_58 : vector<128x2048xf32> to vector<1x128x2048xf32>
    tpu.vector_store %arg5[%swap3A, %swap3A_59, %swap3A_60], %swap3A_63 {strides = array<i32>} : memref<1x128x2048xf32, #tpu.memory_space<vmem>>, vector<1x128x2048xf32>,
    return
  }
  func.func @transform_0(%arg0: i32, %arg1: i32) -> (i32, i32, i32) {
    %c0_i32 = arith.constant 0 : i32
    %c0_i32_0 = arith.constant 0 : i32
    %c0_i32_1 = arith.constant 0 : i32
    return %arg0, %c0_i32, %c0_i32_0 : i32, i32, i32
  }
  func.func @transform_1(%arg0: i32, %arg1: i32) -> (i32, i32, i32, i32) {
    %c0_i32 = arith.constant 0 : i32
    %c0_i32_0 = arith.constant 0 : i32
    %c0_i32_1 = arith.constant 0 : i32
    return %arg0, %c0_i32, %c0_i32_0, %arg1 : i32, i32, i32, i32
  }
  func.func @transform_2(%arg0: i32, %arg1: i32) -> (i32, i32, i32) {
    %c0_i32 = arith.constant 0 : i32
    %c0_i32_0 = arith.constant 0 : i32
    return %arg0, %c0_i32, %arg1 : i32, i32, i32
  }
  func.func @transform_3(%arg0: i32, %arg1: i32) -> (i32, i32, i32) {
    %c0_i32 = arith.constant 0 : i32
    %c0_i32_0 = arith.constant 0 : i32
    return %arg0, %c0_i32, %arg1 : i32, i32, i32
  }
}

</mosaic_0001>

<sc_bundles>
// kernel: sparse-core-data-format-call.cloned.1.call-start
scs
called_computation_lowered:
.L_overlay_start_0:
0x0: {  	s2 =	sld [smem:$0x3FD9]  }
0x1: {  	s3 =	sld [smem:$0x3FFE];
	_ =	sdelay $0x1  }
0x2: {  	s1 =	srdreg.scid  }
0x3: {  	s0 =	sand.u32 $0x1, s1  }
0x4: {  	s15 =	sshll.u32 s0, $0xA;
	s2 =	sadd.s32 s3, s2  }
0x5: {  	s2 =	sadd.s32 s2, s15  }
0x6: {  	[smem:$0x3FC6] =	sst s2  }
0x7: {  	_ = 	snop  }
0x8: {  	s2 =	sld [smem:$0x3FD0];
	_ =	sdelay $0x2  }
0x9: {  	s16 =	simm.s32 $0xA;
	s4 =	simm.s32 $0x10  }
0xa: {  	[smem:s4], [sflag:s16] =	dma.local [hbm:s2], $0x1  }
0xb: {  	_ =	swait.eq [sflag:s16], $0x1  }
0xc: {  	[sflag:s16] =	ssyncset.done $0x0  }
0xd: {  	[sflag:s16] =	ssyncadd.s32 $0xFFFFFFFF  }
0xe: {  	s17 =	sld [smem:$0x10];
	(tm) =	ssettm $0x1  }
0xf: {  	s18 =	sld [smem:$0x3FFB];
	_ =	sdelay $0x3  }
0x10: {  	_ =	strace s18  }
0x11: {  	s3 =	sld [smem:$0x3FFC];
	_ =	sdelay $0x3  }
0x12: {  	_ =	strace s3  }
0x13: {  	s3 =	sld [smem:$0x3FFD];
	_ =	sdelay $0x3  }
0x14: {  	_ =	strace s3  }
0x15: {  	_ =	strace $0x8FFFFFFF  }
0x16: {  	s19 =	sld [smem:$0x3FDB];
	_ =	sdelay $0x1  }
0x17: {  	s20 =	simm.s32 $_scs_section_size  }
0x18: {  	s5 =	simm.s32 $_size__tile_overlayer_lowered;
	s6 =	simm.s32 $_tile_overlayer_lowered  }
0x19: {  	s23 =	simm.s32 $0x1BFF;
	s22 =	sshll.u32 s6, $0x1;
	s3 =	sadd.s32 s20, s19  }
0x1a: {  	s7 =	simm.s32 $0x0;
	s21 =	sshll.u32 s5, $0x1;
	s5 =	sadd.s32 s22, s3  }
0x1b: {  	[timem:s7], [sflag:s23] =	dma.local [hbm:s5], s21  }
0x1c: {  	_ =	swait.ge [sflag:s23], s21  }
0x1d: {  	s4 =	ssub.s32 $0x0, s21;
	[sflag:s23] =	ssyncset.done $0x0  }
0x1e: {  	[sflag:s23] =	ssyncadd.s32 s4;
	_ =	sdelay $0x1  }
0x1f: {  	s24 =	simm.s32 $0x1B8B  }
0x20: {  	_ =	swait.ge [sflag:s24], $0x1  }
0x21: {  	[sflag:s24] =	ssyncset.done $0x0  }
0x22: {  	s26 =	simm.s32 $0x1B8E;
	s25 =	sld [smem:$0x3FFE];
	[sflag:s24] =	ssyncadd.s32 $0xFFFFFFFF  }
0x23: {  	s27 =	simm.s32 $execute0_lowered;
	[smem:$0x3FD2] =	sst s26  }
0x24: {  	s5 =	sshll.u32 s27, $0x1;
	_ =	strace $0x80000046;
	[dreg:$0x1] =	wrdreg $0xFFFFFFFF  }
0x25: {  	s28 =	simm.s32 $_size_execute0_lowered;
	s3 =	sadd.s32 s3, s5;
	[dreg:$0x0] =	wrdreg $0x0  }
0x26: {  	s5 =	sshll.u32 s28, $0x1;
	[dreg:$0x2] =	wrdreg s3  }
0x27: {  	[dreg:$0x3] =	wrdreg s5  }
0x28: {  	[dreg:$0x4] =	wrdreg $0xC0  }
0x29: {  	_ =	task [dreg:s7], $0x5FFFF  }
0x2a: {  	[dreg:$0x1] =	wrdreg $0xFFFFFFFF  }
0x2b: {  	[dreg:$0x0] =	wrdreg $0x60  }
0x2c: {  	[dreg:$0x2] =	wrdreg s25  }
0x2d: {  	[dreg:$0x3] =	wrdreg s17  }
0x2e: {  	[dreg:$0x4] =	wrdreg $0x9  }
0x2f: {  	_ =	task.clear_ibuf [dreg:s7], $0x5FFFF;
	_ =	strace $0x90000046  }
0x30: {  	s29 =	simm.s32 $0x9;
	_ =	strace $0x80000048  }
0x31: {  	_ =	swait.ge [sflag:s29], $0x1  }
0x32: {  	[sflag:s29] =	ssyncadd.s32 $0xFFFFFFFF  }
0x33: {  	_ =	strace $0x90000048  }
0x34: {  	_ =	sfence  }
0x35: {  	s30 =	sld [smem:$0x0];
	_ =	sdelay $0x2  }
0x36: {  	s31 =	sshll.u32 s1, $0xD;
	s1 =	sshrl.u32 s1, $0x2  }
0x37: {  	s3 =	sand.u32 $0x4000, s31;
	s1 =	sadd.s32 s1, s30  }
0x38: {  	s0 =	sor.u32 s3, s0;
	s1 =	sshll.u32 s1, $0x11  }
0x39: {  	s0 =	sor.u32 s1, s0  }
0x3a: {  	s0 =	sadd.s32 $0x8F2B, s0  }
0x3b: {  	[sflag:s0] =	ssyncadd.remote.s32 $0x1  }
0x3c: {  	_ =	sfence.sel $0xFFFF  }
0x3d: {  	[dreg:$0x0] =	wrdreg $0xFFFFFFFF;
	(pc) =	sbr.abs _section_cstart, $3  }
0x3e: {  	[dreg:$0x1] =	wrdreg $0xFFFFFFFF  }
0x3f: {  	_ =	task.clear_ibuf [dreg:s7], $0x2FFFF;
	_ =	strace $0x9FFFFFFF  }
0x40: {  	(tm) =	ssettm $0x7FFFFFFF  }
0x41: {  	_ =	shalt  }
tec
execute0_lowered:
.L_overlay_start_1:
0x0: {  	(tag) =	ssettag $0x1  }
0x1: {  	s1 =	rddreg [dreg:$0x0]  }
0x2: {  	s2 =	rddreg [dreg:$0x1]  }
0x3: {  	s0 =	rddreg [dreg:$0x2]  }
0x4: {  	_ =	strace $0x80000047;
	s4 =	srdreg.scid;
	s6 =	simm.s32 $0x2  }
0x5: {  	s11 =	simm.s32 $0x0;
	p0 =	por $0x0, $0x0;
	s7 =	simm.s32 $0x8000  }
.Ltmp0:
0x6: {  	s12 =	simm.s32 $0x0;
	s9 =	simm.s32 $0x0;
	(pc) =	sbr.rel .LBB1_1-.Ltmp0, $4  }
0x7: {  	s8 =	simm.s32 $0x0;
	s3 =	sadd.s32 $0x500400, s1;
	s5 =	sshll.u32 s4, $0x4  }
0x8: {  	s1 =	stileid.u32;
	s4 =	simm.s32 $0x1;
	s5 =	sand.u32 $0x10, s5  }
0x9: {  	s18 =	simm.s32 $0x0;
	[sflag:s4] =	ssyncpa.u1 $0x0;
	s5 =	sor.u32 s1, s5  }
0xa: {  	[sflag:s6] =	ssyncpa.u1 $0x0;
	s6 =	simm.s32 $0x800;
	s10 =	smov.u32 s5  }
.LBB1_7:
0xb: {  	s13 =	sadd.s32 $0x8, s9  }
0xc: {  	s11 =	sadd.s32 $0x20, s10;
	s15 =	smov.u32 s10;
	p2 =	sgt.s32 s13, $0x7F  }
0xd: {  	p1 =	slt.u32 s8, $0x2;
	s15 =	smov.u32 @p2 s11  }
0xe: {  	s8 =	sadd.s32 $0x1, s8;
	s13 =	simm.s32 @p2 $0x0;
	p2 =	sgt.s32 s15, $0x1F  }
0xf: {  	s15 =	smov.u32 @p2 s5;
	p2 =	sne.s32 s8, $0x12  }
.Ltmp1:
0x10: {  	_ = 	snop;
	(pc) =	sbr.rel @!p2 .LBB1_8-.Ltmp1, $4  }
0x11: {  	s14 =	simm.s32 @!p1 $0x2  }
0x12: {  	s12 =	smov.u32 s10;
	_ =	swait.ge @!p1 [sflag:s14], $0x4000  }
0x13: {  	p0 =	por !p0, !p0;
	s11 =	smov.u32 s9;
	[sflag:s14] =	ssyncset.done @!p1 $0x0  }
0x14: {  	s9 =	smov.u32 s13;
	[sflag:s14] =	ssyncadd.s32 @!p1 $0xFFFFC000;
	s10 =	smov.u32 s15  }
.LBB1_1:
0x15: {  	p1 =	sgt.u32 s8, $0xF  }
0x16: {  	s13 =	sxor.u32 @!p1 $0xFFFFFFFF, s8;
	s14 =	sshll.u32 @!p1 s10, $0xF  }
0x17: {  	s15 =	sshll.u32 @!p1 s9, $0x8;
	s13 =	sshll.u32 @!p1 s13, $0xE;
	s14 =	sadd.s32 @!p1 s3, s14  }
0x18: {  	s13 =	sand.u32 @!p1 $0x4000, s13;
	s14 =	sadd.s32 @!p1 s15, s14;
	s15 =	simm.s32 @!p1 $0x0  }
0x19: {  	[tilespmem:s13], [sflag:$0x1] =	stream.linear.gather @!p1 [hbm4b:s14+s15], $0x4000, $0x38;
	[tilespmem:$0x10000] =	vst v63  }
0x1a: {  	p1 =	seq.s32 s8, $0x0  }
0x1b: {  	p2 =	seq.s32 @!p1 s8, $0x11  }
0x1c: {  	p1 =	por p1, p2  }
.Ltmp2:
0x1d: {  	_ = 	snop;
	(pc) =	sbr.rel @p1 .LBB1_7-.Ltmp2, $1  }
0x1e: {  	_ =	sdelay $0x3  }
0x1f: {  	s13 =	simm.s32 $0x1  }
0x20: {  	_ =	swait.ge [sflag:s4], $0x4000;
	s31 =	sshll.u32 s8, $0xE;
	p1 =	por $0x0, $0x0  }
0x21: {  	s19 =	simm.s32 $0x0;
	s20 =	simm.s32 $0x0;
	s13 =	simm.s32 @!p0 $0x0  }
0x22: {  	[sflag:s4] =	ssyncset.done $0x0;
	s16 =	sand.u32 $0x4000, s31;
	s13 =	sshll.u32 s13, $0x10  }
0x23: {  	[sflag:s4] =	ssyncadd.s32 $0xFFFFC000;
	s17 =	sshrl.u32 s13, $0x2;
	s13 =	sor.u32 $0x8000, s16  }
0x24: {  	s14 =	sor.u32 $0x40, s17;
	s15 =	sor.u32 $0x8410, s17;
	s17 =	sadd.s32 $0x8400, s17  }
.LBB1_3:
0x25: {  	v1 =	vld [tilespmem:s14+$0xFFFFFFD0]  }
0x26: {  	v2 =	vld [tilespmem:s14+$0x430]  }
0x27: {  	s21 =	sshll.u32 s20, $0xB;
	v4 =	vld [tilespmem:s14+$0xFFFFFFE0]  }
0x28: {  	v7 =	vld [tilespmem:s14+$0xFFFFFFF0];
	v0 =	vmov s21  }
0x29: {  	v8 =	vld [tilespmem:s14+$0x0]  }
0x2a: {  	s30 =	sand.u32 $0x300, s18;
	v9 =	vld [tilespmem:s14+$0x10]  }
0x2b: {  	s22 =	sand.u32 $0x80, s18;
	v10 =	vld [tilespmem:s14+$0x20];
	s21 =	sadd.s32 s30, s16  }
0x2c: {  	v11 =	vld [tilespmem:s14+$0x30];
	s21 =	sadd.s32 s22, s21;
	s22 =	simm.s32 $0x1;
	[tilespmem:s15+$0x60] =	vst v2  }
0x2d: {  	s31 =	sshll.u32 s19, $0x2;
	s22 =	simm.s32 @!p1 $0x0;
	[tilespmem:s15+$0xFFFFFC00] =	vst v1;
	v3 =	vld.idx.msk [tilespmem:v0+s21+$0x400 ss:$0x1], $0xffff  }
0x2e: {  	v6 =	vld [tilespmem:s14+$0x3D0];
	s22 =	sshll.u32 s22, $0x9;
	[tilespmem:s15+$0xFFFFFC10] =	vst v4;
	s21 =	sand.u32 $0xFFFFFC00, s31  }
0x2f: {  	v5 =	vld [tilespmem:s14+$0x3E0];
	[tilespmem:s15+$0xFFFFFC20] =	vst v7;
	s21 =	sor.u32 s22, s21  }
0x30: {  	[tilespmem:s15+$0xFFFFFC30] =	vst v8;
	v4 =	vld [tilespmem:s14+$0x400];
	s21 =	sshrl.u32 s21, $0x2  }
0x31: {  	[tilespmem:s15+$0xFFFFFC40] =	vst v9;
	v1 =	vld [tilespmem:s14+$0x410];
	s21 =	sadd.s32 s21, s17  }
0x32: {  	[tilespmem:s21+$0x0] =	vst v3;
	v3 =	vld [tilespmem:s14+$0x3F0]  }
0x33: {  	s25 =	simm.s32 $0x80;
	s24 =	simm.s32 $0x100;
	[tilespmem:s15+$0xFFFFFC50] =	vst v10;
	v2 =	vld [tilespmem:s14+$0x420]  }
0x34: {  	s23 =	smov.u32 s15;
	s26 =	sand.u32 $0x300, s25;
	v7 =	vld [tilespmem:s14+$0xFFFFFFC0];
	[tilespmem:s15+$0xFFFFFC60] =	vst v11;
	s22 =	sadd.s32 $0x80, s14  }
.LBB1_4:
0x35: {  	p2 =	sne.s32 s24, $0x380;
	v8 =	vld [tilespmem:s22+$0xFFFFFFD0];
	s25 =	sand.u32 $0x80, s25;
	s26 =	sadd.s32 s26, s16;
	[tilespmem:s23+$0x0] =	vst v6  }
0x36: {  	s26 =	sadd.s32 s25, s26;
	v6 =	vld [tilespmem:s22+$0x430];
	[tilespmem:s23+$0x10] =	vst v5;
	s25 =	smov.u32 s24  }
0x37: {  	v5 =	vld.idx.msk [tilespmem:v0+s26+$0x400 ss:$0x1], $0xffff;
	[tilespmem:s23+$0x20] =	vst v3  }
0x38: {  	v3 =	vld [tilespmem:s22+$0xFFFFFFE0];
	[tilespmem:s23+$0x30] =	vst v4  }
0x39: {  	v4 =	vld [tilespmem:s22+$0xFFFFFFF0];
	[tilespmem:s23+$0xFFFFFBF0] =	vst v7  }
0x3a: {  	v7 =	vld [tilespmem:s22+$0x0];
	[tilespmem:s23+$0x40] =	vst v1  }
0x3b: {  	v1 =	vld [tilespmem:s22+$0x10];
	[tilespmem:s23+$0x50] =	vst v2;
	s23 =	sadd.s32 $0x800, s23  }
0x3c: {  	s21 =	sadd.s32 $0x800, s21;
	v2 =	vld [tilespmem:s22+$0x20];
	[tilespmem:s23+$0x60] =	vst v6  }
0x3d: {  	v9 =	vld [tilespmem:s22+$0x30];
	[tilespmem:s21+$0x0] =	vst v5  }
0x3e: {  	[tilespmem:s23+$0xFFFFFC00] =	vst v8;
	v6 =	vld [tilespmem:s22+$0x3D0]  }
0x3f: {  	[tilespmem:s23+$0xFFFFFC10] =	vst v3;
	v5 =	vld [tilespmem:s22+$0x3E0]  }
.Ltmp3:
0x40: {  	[tilespmem:s23+$0xFFFFFC20] =	vst v4;
	v3 =	vld [tilespmem:s22+$0x3F0];
	(pc) =	sbr.rel @p2 .LBB1_4-.Ltmp3, $4  }
0x41: {  	[tilespmem:s23+$0xFFFFFC30] =	vst v7;
	v4 =	vld [tilespmem:s22+$0x400]  }
0x42: {  	[tilespmem:s23+$0xFFFFFC40] =	vst v1;
	v1 =	vld [tilespmem:s22+$0x410]  }
0x43: {  	[tilespmem:s23+$0xFFFFFC50] =	vst v2;
	v2 =	vld [tilespmem:s22+$0x420]  }
0x44: {  	s24 =	sadd.s32 $0x80, s24;
	s26 =	sand.u32 $0x300, s25;
	v7 =	vld [tilespmem:s22+$0xFFFFFFC0];
	[tilespmem:s23+$0xFFFFFC60] =	vst v9;
	s22 =	sadd.s32 $0x80, s22  }
0x45: {  	[tilespmem:s23+$0x0] =	vst v6  }
0x46: {  	[tilespmem:s23+$0x10] =	vst v5  }
0x47: {  	v49 =	vld [tilespmem:s22+$0x430];
	[tilespmem:s23+$0x20] =	vst v3  }
0x48: {  	v50 =	vld [tilespmem:s22+$0xFFFFFFD0];
	[tilespmem:s23+$0x30] =	vst v4  }
0x49: {  	v51 =	vld [tilespmem:s22+$0xFFFFFFE0];
	[tilespmem:s23+$0x40] =	vst v1  }
0x4a: {  	v52 =	vld [tilespmem:s22+$0xFFFFFFF0];
	[tilespmem:s23+$0x50] =	vst v2  }
0x4b: {  	s31 =	sadd.s32 $0x800, s23;
	v53 =	vld [tilespmem:s22+$0x0];
	[tilespmem:s23+$0xFFFFFBF0] =	vst v7  }
0x4c: {  	v54 =	vld [tilespmem:s22+$0x10];
	[tilespmem:s31+$0x60] =	vst v49  }
0x4d: {  	v55 =	vld [tilespmem:s22+$0x20];
	[tilespmem:s31+$0xFFFFFC00] =	vst v50  }
0x4e: {  	v56 =	vld [tilespmem:s22+$0x30];
	[tilespmem:s31+$0xFFFFFC10] =	vst v51  }
0x4f: {  	v57 =	vld [tilespmem:s22+$0x3D0];
	[tilespmem:s31+$0xFFFFFC20] =	vst v52  }
0x50: {  	v58 =	vld [tilespmem:s22+$0x3E0];
	[tilespmem:s31+$0xFFFFFC30] =	vst v53  }
0x51: {  	v59 =	vld [tilespmem:s22+$0x3F0];
	[tilespmem:s31+$0xFFFFFC40] =	vst v54  }
0x52: {  	v60 =	vld [tilespmem:s22+$0x400];
	[tilespmem:s31+$0xFFFFFC50] =	vst v55  }
0x53: {  	v61 =	vld [tilespmem:s22+$0xFFFFFFC0];
	[tilespmem:s31+$0xFFFFFC60] =	vst v56  }
0x54: {  	s24 =	sand.u32 $0x80, s25;
	s30 =	sadd.s32 s26, s16;
	v62 =	vld [tilespmem:s22+$0x410];
	[tilespmem:s31+$0x0] =	vst v57  }
0x55: {  	v63 =	vld [tilespmem:s22+$0x420];
	s20 =	sadd.s32 $0x1, s20;
	s24 =	sadd.s32 s24, s30;
	[tilespmem:s31+$0x10] =	vst v58  }
0x56: {  	p2 =	sne.s32 s20, $0x8;
	v0 =	vld.idx.msk [tilespmem:v0+s24+$0x400 ss:$0x1], $0xffff;
	[tilespmem:s31+$0x20] =	vst v59  }
.Ltmp4:
0x57: {  	[tilespmem:s31+$0x30] =	vst v60;
	(pc) =	sbr.rel @p2 .LBB1_3-.Ltmp4, $4  }
0x58: {  	[tilespmem:s31+$0xFFFFFBF0] =	vst v61  }
0x59: {  	[tilespmem:s31+$0x40] =	vst v62  }
0x5a: {  	s21 =	sadd.s32 $0x800, s21;
	s14 =	sadd.s32 $0x800, s14;
	[tilespmem:s31+$0x50] =	vst v63  }
0x5b: {  	s19 =	sadd.s32 $0x80, s19;
	p1 =	por !p1, !p1;
	s15 =	sadd.s32 $0x80, s15;
	[tilespmem:s21+$0x0] =	vst v0  }
0x5c: {  	s14 =	sshll.u32 s11, $0x8;
	s31 =	sshll.u32 s11, $0x7  }
.Ltmp5:
0x5d: {  	s14 =	sand.u32 $0x7800, s14;
	s11 =	sand.u32 $0x380, s31;
	(pc) =	sbr.rel .LBB1_7-.Ltmp5, $4  }
0x5e: {  	s12 =	sshll.u32 s12, $0xF;
	s11 =	sor.u32 s11, s14  }
0x5f: {  	s12 =	sadd.s32 s2, s12;
	s11 =	sshrl.u32 s11, $0x3  }
0x60: {  	s11 =	sadd.s32 s11, s12  }
0x61: {  	[hbm4b:s11+s6] =	stream.strided.scatter [tilespmem:s13], [sflag:$0x2], $0x4000, s7, s6, $0x38;
	[tilespmem:$0x10000] =	vst v63  }
.LBB1_8:
0x62: {  	_ =	sfence.sel $0x180000  }
0x63: {  	s2 =	simm.s32 $0x1;
	[bflag:$0x0] =	sbarrier.arrive $0xFFFF  }
0x64: {  	s31 =	simm.s32 $0x2;
	[sflag:s2] =	ssyncpa.u1 $0x1  }
0x65: {  	[sflag:s31] =	ssyncpa.u1 $0x1  }
0x66: {  	p0 =	sne.s32 s1, $0x0;
	_ =	strace $0x90000047  }
0x67: {  	s0 =	sadd.s32 @!p0 $0x100000, s0;
	[bflag:$0x2] =	sbarrier.arrive $0xFFFF  }
0x68: {  	[sflag:s0] =	ssyncadd.tile.s32 @!p0 $0x1;
	_ =	shalt  }
.Lfunc_end1:
_tile_overlayer_lowered:
.L_overlay_start_2:
0x69: {  	(tag) =	ssettag $0x2  }
0x6a: {  	s0 =	rddreg [dreg:$0x0];
	s2 =	stileid.u32  }
0x6b: {  	s1 =	rddreg [dreg:$0x1];
	p0 =	sne.s32 s2, $0x0  }
0x6c: {  	s3 =	rddreg [dreg:$0x2];
	[bflag:$0x3] =	sbarrier.arrive $0xFFFF;
	s2 =	simm.s32 @!p0 $0x1C01  }
0x6d: {  	[timem:s3], [sflag:s2] =	dma.local @!p0 [hbm:s0], s1  }
0x6e: {  	s0 =	simm.s32 @!p0 $0x1  }
0x6f: {  	_ =	swait.ge @!p0 [sflag:s0], s1  }
0x70: {  	s1 =	ssub.s32 @!p0 $0x0, s1;
	[sflag:s0] =	ssyncset.done @!p0 $0x0  }
0x71: {  	[sflag:s0] =	ssyncadd.s32 @!p0 s1  }
0x72: {  	[bflag:$0x3] =	sbarrier.arrive $0xFFFF  }
0x73: {  	_ =	shalt  }

</sc_bundles>
